<compile_context>
chip_gen: v7x
topology: tpu7x:2x2x1
jax: 0.10.2.dev20260603
libtpu: 0.0.44.dev20260713+nightly
codegen_flags: <defaults>
</compile_context>

<pallas_src>
import functools

import jax
import jax.numpy as jnp
from jax import lax
from jax.experimental import pallas as pl
from jax.experimental.pallas import tpu as pltpu
from jax.experimental.pallas import tpu_sc as plsc

N_CLASSES = 1000
BATCH = 16384

NC = 2
NS = 16
L = 16
NW = NC * NS
COLS_PER_W = BATCH // NW
C_BLK = 128
N_BLKS = COLS_PER_W // C_BLK

_mesh = plsc.VectorSubcoreMesh(core_axis_name="c", subcore_axis_name="s")


@functools.partial(
    pl.kernel,
    out_type=jax.ShapeDtypeStruct((N_CLASSES, BATCH), jnp.float32),
    mesh=_mesh,
    scratch_types=[
        pltpu.VMEM((COLS_PER_W,), jnp.int32),
        pltpu.VMEM((N_CLASSES, C_BLK), jnp.float32),
    ],
    compiler_params=pltpu.CompilerParams(needs_layout_passes=False),
)
def _one_hot_t_sc(idx_hbm, z_hbm, out_hbm, idx_v, buf):
    wid = lax.axis_index("s") * NC + lax.axis_index("c")
    col0 = wid * COLS_PER_W

    pltpu.sync_copy(idx_hbm.at[pl.ds(col0, COLS_PER_W)], idx_v)
    pltpu.sync_copy(z_hbm, buf)

    zeros16 = jnp.zeros((L,), jnp.float32)
    ones16 = jnp.ones((L,), jnp.float32)
    lane = lax.iota(jnp.int32, L)

    def _flip(blk, vals):
        for g in range(C_BLK // L):
            idxv = idx_v[pl.ds(blk * C_BLK + g * L, L)]
            plsc.store_scatter(buf, (idxv, lane + (g * L)), vals)

    for c in range(N_BLKS):
        _flip(c, ones16)
        pltpu.sync_copy(buf, out_hbm.at[:, pl.ds(col0 + c * C_BLK, C_BLK)])
        if c + 1 < N_BLKS:
            _flip(c, zeros16)


def kernel(inputs):
    idx = inputs.astype(jnp.int32)
    zblk = jnp.zeros((N_CLASSES, C_BLK), jnp.float32)
    out_t = _one_hot_t_sc(idx, zblk)
    return out_t.T

# --- scband reference (transcript-rebuilt; emitter-appended) ---
"""Pipeline reference for scband-one-hot-1331439861822 (READ-ONLY COPY).

The authoritative reference and input builder live on the scoring server;
editing this copy changes nothing except your own understanding.
"""

import jax, jax.numpy as jnp
import numpy as np

N_CLASSES = 1000
BATCH = 16384


def setup_inputs(seed: int = 0) -> dict:
    key = jax.random.key(seed)
    inputs = jax.random.randint(key, (BATCH,), 0, N_CLASSES, dtype=jnp.int64)
    return {"inputs": inputs}


def reference(inputs) -> jnp.ndarray:
    # Faithful translation of torch.nn.functional.one_hot(inputs, n_classes).to(float32)
    out = jax.nn.one_hot(inputs, N_CLASSES, dtype=jnp.float32)
    return out

if __name__ == "__main__":
    import jax
    _d = setup_inputs()
    print(jax.jit(kernel)(*tuple(_d.values())))

</pallas_src>

<mosaic_0001>
#map = affine_map<(d0, d1) -> (0)>
#map1 = affine_map<(d0, d1) -> (0, 0)>
module attributes {stable_mosaic.version = 14 : i64} {
  func.func @_one_hot_t_sc(%arg0: i32, %arg1: i32, %arg2: memref<16384xi32, #tpu.memory_space<hbm>>, %arg3: memref<1000x128xf32, #tpu.memory_space<hbm>>, %arg4: memref<1000x16384xf32, #tpu.memory_space<hbm>>, %arg5: memref<512xi32, #tpu.memory_space<vmem>>, %arg6: memref<1000x128xf32, #tpu.memory_space<vmem>>) attributes {dimension_semantics = [#tpu.dimension_semantics<core_parallel>, #tpu.dimension_semantics<subcore_parallel>], iteration_bounds = array<i64: 2, 16>, scalar_prefetch = 0 : i64, scratch_operands = 2 : i64, tpu.core_type = #tpu.core_type<sc_vector_subcore>, window_params = [{transform_indices = #map}, {transform_indices = #map1}, {transform_indices = #map1}]} {
    %mul3A = arith.constant 2 : i32
    %mul3A_0 = arith.muli %arg1, %mul3A : i32
    %add3A = arith.addi %mul3A_0, %arg0 : i32
    %mul3A_1 = arith.constant 512 : i32
    %mul3A_2 = arith.muli %add3A, %mul3A_1 : i32
    "tpu.region"() ({
      %run_scoped3A = tpu.sem_alloc : memref<!tpu.dma_semaphore, #tpu.memory_space<semaphore_mem>>
      %dma_start3A = tpu.memref_slice %arg2[%mul3A_2] : memref<16384xi32, #tpu.memory_space<hbm>> -> memref<512xi32, #tpu.memory_space<hbm>>
      %dma_start3A_293 = tpu.memref_slice %arg2[%mul3A_2] : memref<16384xi32, #tpu.memory_space<hbm>> -> memref<512xi32, #tpu.memory_space<hbm>>
      tpu.enqueue_dma source(%dma_start3A_293 : memref<512xi32, #tpu.memory_space<hbm>>) target(%arg5 : memref<512xi32, #tpu.memory_space<vmem>>) target_semaphore(%run_scoped3A : memref<!tpu.dma_semaphore, #tpu.memory_space<semaphore_mem>>)
      %dma_wait3A = tpu.memref_slice %arg2[%mul3A_2] : memref<16384xi32, #tpu.memory_space<hbm>> -> memref<512xi32, #tpu.memory_space<hbm>>
      %dma_wait3A_294 = tpu.memref_slice %arg2[%mul3A_2] : memref<16384xi32, #tpu.memory_space<hbm>> -> memref<512xi32, #tpu.memory_space<hbm>>
      tpu.wait_dma2 semaphore(%run_scoped3A : memref<!tpu.dma_semaphore, #tpu.memory_space<semaphore_mem>>) src(%dma_wait3A_294 : memref<512xi32, #tpu.memory_space<hbm>>) dst(%arg5 : memref<512xi32, #tpu.memory_space<vmem>>)
      tpu.yield
    }) : () -> ()
    "tpu.region"() ({
      %run_scoped3A = tpu.sem_alloc : memref<!tpu.dma_semaphore, #tpu.memory_space<semaphore_mem>>
      tpu.enqueue_dma source(%arg3 : memref<1000x128xf32, #tpu.memory_space<hbm>>) target(%arg6 : memref<1000x128xf32, #tpu.memory_space<vmem>>) target_semaphore(%run_scoped3A : memref<!tpu.dma_semaphore, #tpu.memory_space<semaphore_mem>>)
      tpu.wait_dma2 semaphore(%run_scoped3A : memref<!tpu.dma_semaphore, #tpu.memory_space<semaphore_mem>>) src(%arg3 : memref<1000x128xf32, #tpu.memory_space<hbm>>) dst(%arg6 : memref<1000x128xf32, #tpu.memory_space<vmem>>)
      tpu.yield
    }) : () -> ()
    %broadcast_in_dim3A = arith.constant 0.000000e+00 : f32
    %broadcast_in_dim3A_3 = vector.broadcast %broadcast_in_dim3A : f32 to vector<16xf32>
    %broadcast_in_dim3A_4 = arith.constant 1.000000e+00 : f32
    %broadcast_in_dim3A_5 = vector.broadcast %broadcast_in_dim3A_4 : f32 to vector<16xf32>
    %iota3A = tpu.iota {dimensions = array<i32: 0>} : vector<16xi32>
    %get3A = arith.constant 0 : index
    %get3A_6 = tpu.vector_load %arg5[%get3A] {strides = array<i32>} : memref<512xi32, #tpu.memory_space<vmem>>, vector<16xi32>,
    %add3A_7 = arith.constant 0 : i32
    %add3A_8 = vector.broadcast %add3A_7 : i32 to vector<16xi32>
    %add3A_9 = arith.addi %iota3A, %add3A_8 : vector<16xi32>
    tpu.vector_store_idx %arg6[%get3A_6, %add3A_9], %broadcast_in_dim3A_5 : memref<1000x128xf32, #tpu.memory_space<vmem>>[vector<16xi32>, vector<16xi32>], vector<16xf32>,
    %get3A_10 = arith.constant 16 : index
    %get3A_11 = tpu.vector_load %arg5[%get3A_10] {strides = array<i32>} : memref<512xi32, #tpu.memory_space<vmem>>, vector<16xi32>,
    %add3A_12 = arith.constant 16 : i32
    %add3A_13 = vector.broadcast %add3A_12 : i32 to vector<16xi32>
    %add3A_14 = arith.addi %iota3A, %add3A_13 : vector<16xi32>
    tpu.vector_store_idx %arg6[%get3A_11, %add3A_14], %broadcast_in_dim3A_5 : memref<1000x128xf32, #tpu.memory_space<vmem>>[vector<16xi32>, vector<16xi32>], vector<16xf32>,
    %get3A_15 = arith.constant 32 : index
    %get3A_16 = tpu.vector_load %arg5[%get3A_15] {strides = array<i32>} : memref<512xi32, #tpu.memory_space<vmem>>, vector<16xi32>,
    %add3A_17 = arith.constant 32 : i32
    %add3A_18 = vector.broadcast %add3A_17 : i32 to vector<16xi32>
    %add3A_19 = arith.addi %iota3A, %add3A_18 : vector<16xi32>
    tpu.vector_store_idx %arg6[%get3A_16, %add3A_19], %broadcast_in_dim3A_5 : memref<1000x128xf32, #tpu.memory_space<vmem>>[vector<16xi32>, vector<16xi32>], vector<16xf32>,
    %get3A_20 = arith.constant 48 : index
    %get3A_21 = tpu.vector_load %arg5[%get3A_20] {strides = array<i32>} : memref<512xi32, #tpu.memory_space<vmem>>, vector<16xi32>,
    %add3A_22 = arith.constant 48 : i32
    %add3A_23 = vector.broadcast %add3A_22 : i32 to vector<16xi32>
    %add3A_24 = arith.addi %iota3A, %add3A_23 : vector<16xi32>
    tpu.vector_store_idx %arg6[%get3A_21, %add3A_24], %broadcast_in_dim3A_5 : memref<1000x128xf32, #tpu.memory_space<vmem>>[vector<16xi32>, vector<16xi32>], vector<16xf32>,
    %get3A_25 = arith.constant 64 : index
    %get3A_26 = tpu.vector_load %arg5[%get3A_25] {strides = array<i32>} : memref<512xi32, #tpu.memory_space<vmem>>, vector<16xi32>,
    %add3A_27 = arith.constant 64 : i32
    %add3A_28 = vector.broadcast %add3A_27 : i32 to vector<16xi32>
    %add3A_29 = arith.addi %iota3A, %add3A_28 : vector<16xi32>
    tpu.vector_store_idx %arg6[%get3A_26, %add3A_29], %broadcast_in_dim3A_5 : memref<1000x128xf32, #tpu.memory_space<vmem>>[vector<16xi32>, vector<16xi32>], vector<16xf32>,
    %get3A_30 = arith.constant 80 : index
    %get3A_31 = tpu.vector_load %arg5[%get3A_30] {strides = array<i32>} : memref<512xi32, #tpu.memory_space<vmem>>, vector<16xi32>,
    %add3A_32 = arith.constant 80 : i32
    %add3A_33 = vector.broadcast %add3A_32 : i32 to vector<16xi32>
    %add3A_34 = arith.addi %iota3A, %add3A_33 : vector<16xi32>
    tpu.vector_store_idx %arg6[%get3A_31, %add3A_34], %broadcast_in_dim3A_5 : memref<1000x128xf32, #tpu.memory_space<vmem>>[vector<16xi32>, vector<16xi32>], vector<16xf32>,
    %get3A_35 = arith.constant 96 : index
    %get3A_36 = tpu.vector_load %arg5[%get3A_35] {strides = array<i32>} : memref<512xi32, #tpu.memory_space<vmem>>, vector<16xi32>,
    %add3A_37 = arith.constant 96 : i32
    %add3A_38 = vector.broadcast %add3A_37 : i32 to vector<16xi32>
    %add3A_39 = arith.addi %iota3A, %add3A_38 : vector<16xi32>
    tpu.vector_store_idx %arg6[%get3A_36, %add3A_39], %broadcast_in_dim3A_5 : memref<1000x128xf32, #tpu.memory_space<vmem>>[vector<16xi32>, vector<16xi32>], vector<16xf32>,
    %get3A_40 = arith.constant 112 : index
    %get3A_41 = tpu.vector_load %arg5[%get3A_40] {strides = array<i32>} : memref<512xi32, #tpu.memory_space<vmem>>, vector<16xi32>,
    %add3A_42 = arith.constant 112 : i32
    %add3A_43 = vector.broadcast %add3A_42 : i32 to vector<16xi32>
    %add3A_44 = arith.addi %iota3A, %add3A_43 : vector<16xi32>
    tpu.vector_store_idx %arg6[%get3A_41, %add3A_44], %broadcast_in_dim3A_5 : memref<1000x128xf32, #tpu.memory_space<vmem>>[vector<16xi32>, vector<16xi32>], vector<16xf32>,
    %add3A_45 = arith.constant 0 : i32
    %add3A_46 = arith.addi %mul3A_2, %add3A_45 : i32
    "tpu.region"() ({
      %run_scoped3A = tpu.sem_alloc : memref<!tpu.dma_semaphore, #tpu.memory_space<semaphore_mem>>
      %dma_start3A = arith.constant 0 : i32
      %dma_start3A_293 = tpu.memref_slice %arg4[%dma_start3A, %add3A_46] : memref<1000x16384xf32, #tpu.memory_space<hbm>> -> memref<1000x128xf32, #tpu.memory_space<hbm>>
      %dma_start3A_294 = arith.constant 0 : i32
      %dma_start3A_295 = tpu.memref_slice %arg4[%dma_start3A_294, %add3A_46] : memref<1000x16384xf32, #tpu.memory_space<hbm>> -> memref<1000x128xf32, #tpu.memory_space<hbm>>
      tpu.enqueue_dma source(%arg6 : memref<1000x128xf32, #tpu.memory_space<vmem>>) target(%dma_start3A_295 : memref<1000x128xf32, #tpu.memory_space<hbm>>) target_semaphore(%run_scoped3A : memref<!tpu.dma_semaphore, #tpu.memory_space<semaphore_mem>>)
      %dma_wait3A = arith.constant 0 : i32
      %dma_wait3A_296 = tpu.memref_slice %arg4[%dma_wait3A, %add3A_46] : memref<1000x16384xf32, #tpu.memory_space<hbm>> -> memref<1000x128xf32, #tpu.memory_space<hbm>>
      %dma_wait3A_297 = arith.constant 0 : i32
      %dma_wait3A_298 = tpu.memref_slice %arg4[%dma_wait3A_297, %add3A_46] : memref<1000x16384xf32, #tpu.memory_space<hbm>> -> memref<1000x128xf32, #tpu.memory_space<hbm>>
      tpu.wait_dma2 semaphore(%run_scoped3A : memref<!tpu.dma_semaphore, #tpu.memory_space<semaphore_mem>>) src(%arg6 : memref<1000x128xf32, #tpu.memory_space<vmem>>) dst(%dma_wait3A_298 : memref<1000x128xf32, #tpu.memory_space<hbm>>)
      tpu.yield
    }) : () -> ()
    %get3A_47 = arith.constant 0 : index
    %get3A_48 = tpu.vector_load %arg5[%get3A_47] {strides = array<i32>} : memref<512xi32, #tpu.memory_space<vmem>>, vector<16xi32>,
    %add3A_49 = arith.constant 0 : i32
    %add3A_50 = vector.broadcast %add3A_49 : i32 to vector<16xi32>
    %add3A_51 = arith.addi %iota3A, %add3A_50 : vector<16xi32>
    tpu.vector_store_idx %arg6[%get3A_48, %add3A_51], %broadcast_in_dim3A_3 : memref<1000x128xf32, #tpu.memory_space<vmem>>[vector<16xi32>, vector<16xi32>], vector<16xf32>,
    %get3A_52 = arith.constant 16 : index
    %get3A_53 = tpu.vector_load %arg5[%get3A_52] {strides = array<i32>} : memref<512xi32, #tpu.memory_space<vmem>>, vector<16xi32>,
    %add3A_54 = arith.constant 16 : i32
    %add3A_55 = vector.broadcast %add3A_54 : i32 to vector<16xi32>
    %add3A_56 = arith.addi %iota3A, %add3A_55 : vector<16xi32>
    tpu.vector_store_idx %arg6[%get3A_53, %add3A_56], %broadcast_in_dim3A_3 : memref<1000x128xf32, #tpu.memory_space<vmem>>[vector<16xi32>, vector<16xi32>], vector<16xf32>,
    %get3A_57 = arith.constant 32 : index
    %get3A_58 = tpu.vector_load %arg5[%get3A_57] {strides = array<i32>} : memref<512xi32, #tpu.memory_space<vmem>>, vector<16xi32>,
    %add3A_59 = arith.constant 32 : i32
    %add3A_60 = vector.broadcast %add3A_59 : i32 to vector<16xi32>
    %add3A_61 = arith.addi %iota3A, %add3A_60 : vector<16xi32>
    tpu.vector_store_idx %arg6[%get3A_58, %add3A_61], %broadcast_in_dim3A_3 : memref<1000x128xf32, #tpu.memory_space<vmem>>[vector<16xi32>, vector<16xi32>], vector<16xf32>,
    %get3A_62 = arith.constant 48 : index
    %get3A_63 = tpu.vector_load %arg5[%get3A_62] {strides = array<i32>} : memref<512xi32, #tpu.memory_space<vmem>>, vector<16xi32>,
    %add3A_64 = arith.constant 48 : i32
    %add3A_65 = vector.broadcast %add3A_64 : i32 to vector<16xi32>
    %add3A_66 = arith.addi %iota3A, %add3A_65 : vector<16xi32>
    tpu.vector_store_idx %arg6[%get3A_63, %add3A_66], %broadcast_in_dim3A_3 : memref<1000x128xf32, #tpu.memory_space<vmem>>[vector<16xi32>, vector<16xi32>], vector<16xf32>,
    %get3A_67 = arith.constant 64 : index
    %get3A_68 = tpu.vector_load %arg5[%get3A_67] {strides = array<i32>} : memref<512xi32, #tpu.memory_space<vmem>>, vector<16xi32>,
    %add3A_69 = arith.constant 64 : i32
    %add3A_70 = vector.broadcast %add3A_69 : i32 to vector<16xi32>
    %add3A_71 = arith.addi %iota3A, %add3A_70 : vector<16xi32>
    tpu.vector_store_idx %arg6[%get3A_68, %add3A_71], %broadcast_in_dim3A_3 : memref<1000x128xf32, #tpu.memory_space<vmem>>[vector<16xi32>, vector<16xi32>], vector<16xf32>,
    %get3A_72 = arith.constant 80 : index
    %get3A_73 = tpu.vector_load %arg5[%get3A_72] {strides = array<i32>} : memref<512xi32, #tpu.memory_space<vmem>>, vector<16xi32>,
    %add3A_74 = arith.constant 80 : i32
    %add3A_75 = vector.broadcast %add3A_74 : i32 to vector<16xi32>
    %add3A_76 = arith.addi %iota3A, %add3A_75 : vector<16xi32>
    tpu.vector_store_idx %arg6[%get3A_73, %add3A_76], %broadcast_in_dim3A_3 : memref<1000x128xf32, #tpu.memory_space<vmem>>[vector<16xi32>, vector<16xi32>], vector<16xf32>,
    %get3A_77 = arith.constant 96 : index
    %get3A_78 = tpu.vector_load %arg5[%get3A_77] {strides = array<i32>} : memref<512xi32, #tpu.memory_space<vmem>>, vector<16xi32>,
    %add3A_79 = arith.constant 96 : i32
    %add3A_80 = vector.broadcast %add3A_79 : i32 to vector<16xi32>
    %add3A_81 = arith.addi %iota3A, %add3A_80 : vector<16xi32>
    tpu.vector_store_idx %arg6[%get3A_78, %add3A_81], %broadcast_in_dim3A_3 : memref<1000x128xf32, #tpu.memory_space<vmem>>[vector<16xi32>, vector<16xi32>], vector<16xf32>,
    %get3A_82 = arith.constant 112 : index
    %get3A_83 = tpu.vector_load %arg5[%get3A_82] {strides = array<i32>} : memref<512xi32, #tpu.memory_space<vmem>>, vector<16xi32>,
    %add3A_84 = arith.constant 112 : i32
    %add3A_85 = vector.broadcast %add3A_84 : i32 to vector<16xi32>
    %add3A_86 = arith.addi %iota3A, %add3A_85 : vector<16xi32>
    tpu.vector_store_idx %arg6[%get3A_83, %add3A_86], %broadcast_in_dim3A_3 : memref<1000x128xf32, #tpu.memory_space<vmem>>[vector<16xi32>, vector<16xi32>], vector<16xf32>,
    %get3A_87 = arith.constant 128 : index
    %get3A_88 = tpu.vector_load %arg5[%get3A_87] {strides = array<i32>} : memref<512xi32, #tpu.memory_space<vmem>>, vector<16xi32>,
    %add3A_89 = arith.constant 0 : i32
    %add3A_90 = vector.broadcast %add3A_89 : i32 to vector<16xi32>
    %add3A_91 = arith.addi %iota3A, %add3A_90 : vector<16xi32>
    tpu.vector_store_idx %arg6[%get3A_88, %add3A_91], %broadcast_in_dim3A_5 : memref<1000x128xf32, #tpu.memory_space<vmem>>[vector<16xi32>, vector<16xi32>], vector<16xf32>,
    %get3A_92 = arith.constant 144 : index
    %get3A_93 = tpu.vector_load %arg5[%get3A_92] {strides = array<i32>} : memref<512xi32, #tpu.memory_space<vmem>>, vector<16xi32>,
    %add3A_94 = arith.constant 16 : i32
    %add3A_95 = vector.broadcast %add3A_94 : i32 to vector<16xi32>
    %add3A_96 = arith.addi %iota3A, %add3A_95 : vector<16xi32>
    tpu.vector_store_idx %arg6[%get3A_93, %add3A_96], %broadcast_in_dim3A_5 : memref<1000x128xf32, #tpu.memory_space<vmem>>[vector<16xi32>, vector<16xi32>], vector<16xf32>,
    %get3A_97 = arith.constant 160 : index
    %get3A_98 = tpu.vector_load %arg5[%get3A_97] {strides = array<i32>} : memref<512xi32, #tpu.memory_space<vmem>>, vector<16xi32>,
    %add3A_99 = arith.constant 32 : i32
    %add3A_100 = vector.broadcast %add3A_99 : i32 to vector<16xi32>
    %add3A_101 = arith.addi %iota3A, %add3A_100 : vector<16xi32>
    tpu.vector_store_idx %arg6[%get3A_98, %add3A_101], %broadcast_in_dim3A_5 : memref<1000x128xf32, #tpu.memory_space<vmem>>[vector<16xi32>, vector<16xi32>], vector<16xf32>,
    %get3A_102 = arith.constant 176 : index
    %get3A_103 = tpu.vector_load %arg5[%get3A_102] {strides = array<i32>} : memref<512xi32, #tpu.memory_space<vmem>>, vector<16xi32>,
    %add3A_104 = arith.constant 48 : i32
    %add3A_105 = vector.broadcast %add3A_104 : i32 to vector<16xi32>
    %add3A_106 = arith.addi %iota3A, %add3A_105 : vector<16xi32>
    tpu.vector_store_idx %arg6[%get3A_103, %add3A_106], %broadcast_in_dim3A_5 : memref<1000x128xf32, #tpu.memory_space<vmem>>[vector<16xi32>, vector<16xi32>], vector<16xf32>,
    %get3A_107 = arith.constant 192 : index
    %get3A_108 = tpu.vector_load %arg5[%get3A_107] {strides = array<i32>} : memref<512xi32, #tpu.memory_space<vmem>>, vector<16xi32>,
    %add3A_109 = arith.constant 64 : i32
    %add3A_110 = vector.broadcast %add3A_109 : i32 to vector<16xi32>
    %add3A_111 = arith.addi %iota3A, %add3A_110 : vector<16xi32>
    tpu.vector_store_idx %arg6[%get3A_108, %add3A_111], %broadcast_in_dim3A_5 : memref<1000x128xf32, #tpu.memory_space<vmem>>[vector<16xi32>, vector<16xi32>], vector<16xf32>,
    %get3A_112 = arith.constant 208 : index
    %get3A_113 = tpu.vector_load %arg5[%get3A_112] {strides = array<i32>} : memref<512xi32, #tpu.memory_space<vmem>>, vector<16xi32>,
    %add3A_114 = arith.constant 80 : i32
    %add3A_115 = vector.broadcast %add3A_114 : i32 to vector<16xi32>
    %add3A_116 = arith.addi %iota3A, %add3A_115 : vector<16xi32>
    tpu.vector_store_idx %arg6[%get3A_113, %add3A_116], %broadcast_in_dim3A_5 : memref<1000x128xf32, #tpu.memory_space<vmem>>[vector<16xi32>, vector<16xi32>], vector<16xf32>,
    %get3A_117 = arith.constant 224 : index
    %get3A_118 = tpu.vector_load %arg5[%get3A_117] {strides = array<i32>} : memref<512xi32, #tpu.memory_space<vmem>>, vector<16xi32>,
    %add3A_119 = arith.constant 96 : i32
    %add3A_120 = vector.broadcast %add3A_119 : i32 to vector<16xi32>
    %add3A_121 = arith.addi %iota3A, %add3A_120 : vector<16xi32>
    tpu.vector_store_idx %arg6[%get3A_118, %add3A_121], %broadcast_in_dim3A_5 : memref<1000x128xf32, #tpu.memory_space<vmem>>[vector<16xi32>, vector<16xi32>], vector<16xf32>,
    %get3A_122 = arith.constant 240 : index
    %get3A_123 = tpu.vector_load %arg5[%get3A_122] {strides = array<i32>} : memref<512xi32, #tpu.memory_space<vmem>>, vector<16xi32>,
    %add3A_124 = arith.constant 112 : i32
    %add3A_125 = vector.broadcast %add3A_124 : i32 to vector<16xi32>
    %add3A_126 = arith.addi %iota3A, %add3A_125 : vector<16xi32>
    tpu.vector_store_idx %arg6[%get3A_123, %add3A_126], %broadcast_in_dim3A_5 : memref<1000x128xf32, #tpu.memory_space<vmem>>[vector<16xi32>, vector<16xi32>], vector<16xf32>,
    %add3A_127 = arith.constant 128 : i32
    %add3A_128 = arith.addi %mul3A_2, %add3A_127 : i32
    "tpu.region"() ({
      %run_scoped3A = tpu.sem_alloc : memref<!tpu.dma_semaphore, #tpu.memory_space<semaphore_mem>>
      %dma_start3A = arith.constant 0 : i32
      %dma_start3A_293 = tpu.memref_slice %arg4[%dma_start3A, %add3A_128] : memref<1000x16384xf32, #tpu.memory_space<hbm>> -> memref<1000x128xf32, #tpu.memory_space<hbm>>
      %dma_start3A_294 = arith.constant 0 : i32
      %dma_start3A_295 = tpu.memref_slice %arg4[%dma_start3A_294, %add3A_128] : memref<1000x16384xf32, #tpu.memory_space<hbm>> -> memref<1000x128xf32, #tpu.memory_space<hbm>>
      tpu.enqueue_dma source(%arg6 : memref<1000x128xf32, #tpu.memory_space<vmem>>) target(%dma_start3A_295 : memref<1000x128xf32, #tpu.memory_space<hbm>>) target_semaphore(%run_scoped3A : memref<!tpu.dma_semaphore, #tpu.memory_space<semaphore_mem>>)
      %dma_wait3A = arith.constant 0 : i32
      %dma_wait3A_296 = tpu.memref_slice %arg4[%dma_wait3A, %add3A_128] : memref<1000x16384xf32, #tpu.memory_space<hbm>> -> memref<1000x128xf32, #tpu.memory_space<hbm>>
      %dma_wait3A_297 = arith.constant 0 : i32
      %dma_wait3A_298 = tpu.memref_slice %arg4[%dma_wait3A_297, %add3A_128] : memref<1000x16384xf32, #tpu.memory_space<hbm>> -> memref<1000x128xf32, #tpu.memory_space<hbm>>
      tpu.wait_dma2 semaphore(%run_scoped3A : memref<!tpu.dma_semaphore, #tpu.memory_space<semaphore_mem>>) src(%arg6 : memref<1000x128xf32, #tpu.memory_space<vmem>>) dst(%dma_wait3A_298 : memref<1000x128xf32, #tpu.memory_space<hbm>>)
      tpu.yield
    }) : () -> ()
    %get3A_129 = arith.constant 128 : index
    %get3A_130 = tpu.vector_load %arg5[%get3A_129] {strides = array<i32>} : memref<512xi32, #tpu.memory_space<vmem>>, vector<16xi32>,
    %add3A_131 = arith.constant 0 : i32
    %add3A_132 = vector.broadcast %add3A_131 : i32 to vector<16xi32>
    %add3A_133 = arith.addi %iota3A, %add3A_132 : vector<16xi32>
    tpu.vector_store_idx %arg6[%get3A_130, %add3A_133], %broadcast_in_dim3A_3 : memref<1000x128xf32, #tpu.memory_space<vmem>>[vector<16xi32>, vector<16xi32>], vector<16xf32>,
    %get3A_134 = arith.constant 144 : index
    %get3A_135 = tpu.vector_load %arg5[%get3A_134] {strides = array<i32>} : memref<512xi32, #tpu.memory_space<vmem>>, vector<16xi32>,
    %add3A_136 = arith.constant 16 : i32
    %add3A_137 = vector.broadcast %add3A_136 : i32 to vector<16xi32>
    %add3A_138 = arith.addi %iota3A, %add3A_137 : vector<16xi32>
    tpu.vector_store_idx %arg6[%get3A_135, %add3A_138], %broadcast_in_dim3A_3 : memref<1000x128xf32, #tpu.memory_space<vmem>>[vector<16xi32>, vector<16xi32>], vector<16xf32>,
    %get3A_139 = arith.constant 160 : index
    %get3A_140 = tpu.vector_load %arg5[%get3A_139] {strides = array<i32>} : memref<512xi32, #tpu.memory_space<vmem>>, vector<16xi32>,
    %add3A_141 = arith.constant 32 : i32
    %add3A_142 = vector.broadcast %add3A_141 : i32 to vector<16xi32>
    %add3A_143 = arith.addi %iota3A, %add3A_142 : vector<16xi32>
    tpu.vector_store_idx %arg6[%get3A_140, %add3A_143], %broadcast_in_dim3A_3 : memref<1000x128xf32, #tpu.memory_space<vmem>>[vector<16xi32>, vector<16xi32>], vector<16xf32>,
    %get3A_144 = arith.constant 176 : index
    %get3A_145 = tpu.vector_load %arg5[%get3A_144] {strides = array<i32>} : memref<512xi32, #tpu.memory_space<vmem>>, vector<16xi32>,
    %add3A_146 = arith.constant 48 : i32
    %add3A_147 = vector.broadcast %add3A_146 : i32 to vector<16xi32>
    %add3A_148 = arith.addi %iota3A, %add3A_147 : vector<16xi32>
    tpu.vector_store_idx %arg6[%get3A_145, %add3A_148], %broadcast_in_dim3A_3 : memref<1000x128xf32, #tpu.memory_space<vmem>>[vector<16xi32>, vector<16xi32>], vector<16xf32>,
    %get3A_149 = arith.constant 192 : index
    %get3A_150 = tpu.vector_load %arg5[%get3A_149] {strides = array<i32>} : memref<512xi32, #tpu.memory_space<vmem>>, vector<16xi32>,
    %add3A_151 = arith.constant 64 : i32
    %add3A_152 = vector.broadcast %add3A_151 : i32 to vector<16xi32>
    %add3A_153 = arith.addi %iota3A, %add3A_152 : vector<16xi32>
    tpu.vector_store_idx %arg6[%get3A_150, %add3A_153], %broadcast_in_dim3A_3 : memref<1000x128xf32, #tpu.memory_space<vmem>>[vector<16xi32>, vector<16xi32>], vector<16xf32>,
    %get3A_154 = arith.constant 208 : index
    %get3A_155 = tpu.vector_load %arg5[%get3A_154] {strides = array<i32>} : memref<512xi32, #tpu.memory_space<vmem>>, vector<16xi32>,
    %add3A_156 = arith.constant 80 : i32
    %add3A_157 = vector.broadcast %add3A_156 : i32 to vector<16xi32>
    %add3A_158 = arith.addi %iota3A, %add3A_157 : vector<16xi32>
    tpu.vector_store_idx %arg6[%get3A_155, %add3A_158], %broadcast_in_dim3A_3 : memref<1000x128xf32, #tpu.memory_space<vmem>>[vector<16xi32>, vector<16xi32>], vector<16xf32>,
    %get3A_159 = arith.constant 224 : index
    %get3A_160 = tpu.vector_load %arg5[%get3A_159] {strides = array<i32>} : memref<512xi32, #tpu.memory_space<vmem>>, vector<16xi32>,
    %add3A_161 = arith.constant 96 : i32
    %add3A_162 = vector.broadcast %add3A_161 : i32 to vector<16xi32>
    %add3A_163 = arith.addi %iota3A, %add3A_162 : vector<16xi32>
    tpu.vector_store_idx %arg6[%get3A_160, %add3A_163], %broadcast_in_dim3A_3 : memref<1000x128xf32, #tpu.memory_space<vmem>>[vector<16xi32>, vector<16xi32>], vector<16xf32>,
    %get3A_164 = arith.constant 240 : index
    %get3A_165 = tpu.vector_load %arg5[%get3A_164] {strides = array<i32>} : memref<512xi32, #tpu.memory_space<vmem>>, vector<16xi32>,
    %add3A_166 = arith.constant 112 : i32
    %add3A_167 = vector.broadcast %add3A_166 : i32 to vector<16xi32>
    %add3A_168 = arith.addi %iota3A, %add3A_167 : vector<16xi32>
    tpu.vector_store_idx %arg6[%get3A_165, %add3A_168], %broadcast_in_dim3A_3 : memref<1000x128xf32, #tpu.memory_space<vmem>>[vector<16xi32>, vector<16xi32>], vector<16xf32>,
    %get3A_169 = arith.constant 256 : index
    %get3A_170 = tpu.vector_load %arg5[%get3A_169] {strides = array<i32>} : memref<512xi32, #tpu.memory_space<vmem>>, vector<16xi32>,
    %add3A_171 = arith.constant 0 : i32
    %add3A_172 = vector.broadcast %add3A_171 : i32 to vector<16xi32>
    %add3A_173 = arith.addi %iota3A, %add3A_172 : vector<16xi32>
    tpu.vector_store_idx %arg6[%get3A_170, %add3A_173], %broadcast_in_dim3A_5 : memref<1000x128xf32, #tpu.memory_space<vmem>>[vector<16xi32>, vector<16xi32>], vector<16xf32>,
    %get3A_174 = arith.constant 272 : index
    %get3A_175 = tpu.vector_load %arg5[%get3A_174] {strides = array<i32>} : memref<512xi32, #tpu.memory_space<vmem>>, vector<16xi32>,
    %add3A_176 = arith.constant 16 : i32
    %add3A_177 = vector.broadcast %add3A_176 : i32 to vector<16xi32>
    %add3A_178 = arith.addi %iota3A, %add3A_177 : vector<16xi32>
    tpu.vector_store_idx %arg6[%get3A_175, %add3A_178], %broadcast_in_dim3A_5 : memref<1000x128xf32, #tpu.memory_space<vmem>>[vector<16xi32>, vector<16xi32>], vector<16xf32>,
    %get3A_179 = arith.constant 288 : index
    %get3A_180 = tpu.vector_load %arg5[%get3A_179] {strides = array<i32>} : memref<512xi32, #tpu.memory_space<vmem>>, vector<16xi32>,
    %add3A_181 = arith.constant 32 : i32
    %add3A_182 = vector.broadcast %add3A_181 : i32 to vector<16xi32>
    %add3A_183 = arith.addi %iota3A, %add3A_182 : vector<16xi32>
    tpu.vector_store_idx %arg6[%get3A_180, %add3A_183], %broadcast_in_dim3A_5 : memref<1000x128xf32, #tpu.memory_space<vmem>>[vector<16xi32>, vector<16xi32>], vector<16xf32>,
    %get3A_184 = arith.constant 304 : index
    %get3A_185 = tpu.vector_load %arg5[%get3A_184] {strides = array<i32>} : memref<512xi32, #tpu.memory_space<vmem>>, vector<16xi32>,
    %add3A_186 = arith.constant 48 : i32
    %add3A_187 = vector.broadcast %add3A_186 : i32 to vector<16xi32>
    %add3A_188 = arith.addi %iota3A, %add3A_187 : vector<16xi32>
    tpu.vector_store_idx %arg6[%get3A_185, %add3A_188], %broadcast_in_dim3A_5 : memref<1000x128xf32, #tpu.memory_space<vmem>>[vector<16xi32>, vector<16xi32>], vector<16xf32>,
    %get3A_189 = arith.constant 320 : index
    %get3A_190 = tpu.vector_load %arg5[%get3A_189] {strides = array<i32>} : memref<512xi32, #tpu.memory_space<vmem>>, vector<16xi32>,
    %add3A_191 = arith.constant 64 : i32
    %add3A_192 = vector.broadcast %add3A_191 : i32 to vector<16xi32>
    %add3A_193 = arith.addi %iota3A, %add3A_192 : vector<16xi32>
    tpu.vector_store_idx %arg6[%get3A_190, %add3A_193], %broadcast_in_dim3A_5 : memref<1000x128xf32, #tpu.memory_space<vmem>>[vector<16xi32>, vector<16xi32>], vector<16xf32>,
    %get3A_194 = arith.constant 336 : index
    %get3A_195 = tpu.vector_load %arg5[%get3A_194] {strides = array<i32>} : memref<512xi32, #tpu.memory_space<vmem>>, vector<16xi32>,
    %add3A_196 = arith.constant 80 : i32
    %add3A_197 = vector.broadcast %add3A_196 : i32 to vector<16xi32>
    %add3A_198 = arith.addi %iota3A, %add3A_197 : vector<16xi32>
    tpu.vector_store_idx %arg6[%get3A_195, %add3A_198], %broadcast_in_dim3A_5 : memref<1000x128xf32, #tpu.memory_space<vmem>>[vector<16xi32>, vector<16xi32>], vector<16xf32>,
    %get3A_199 = arith.constant 352 : index
    %get3A_200 = tpu.vector_load %arg5[%get3A_199] {strides = array<i32>} : memref<512xi32, #tpu.memory_space<vmem>>, vector<16xi32>,
    %add3A_201 = arith.constant 96 : i32
    %add3A_202 = vector.broadcast %add3A_201 : i32 to vector<16xi32>
    %add3A_203 = arith.addi %iota3A, %add3A_202 : vector<16xi32>
    tpu.vector_store_idx %arg6[%get3A_200, %add3A_203], %broadcast_in_dim3A_5 : memref<1000x128xf32, #tpu.memory_space<vmem>>[vector<16xi32>, vector<16xi32>], vector<16xf32>,
    %get3A_204 = arith.constant 368 : index
    %get3A_205 = tpu.vector_load %arg5[%get3A_204] {strides = array<i32>} : memref<512xi32, #tpu.memory_space<vmem>>, vector<16xi32>,
    %add3A_206 = arith.constant 112 : i32
    %add3A_207 = vector.broadcast %add3A_206 : i32 to vector<16xi32>
    %add3A_208 = arith.addi %iota3A, %add3A_207 : vector<16xi32>
    tpu.vector_store_idx %arg6[%get3A_205, %add3A_208], %broadcast_in_dim3A_5 : memref<1000x128xf32, #tpu.memory_space<vmem>>[vector<16xi32>, vector<16xi32>], vector<16xf32>,
    %add3A_209 = arith.constant 256 : i32
    %add3A_210 = arith.addi %mul3A_2, %add3A_209 : i32
    "tpu.region"() ({
      %run_scoped3A = tpu.sem_alloc : memref<!tpu.dma_semaphore, #tpu.memory_space<semaphore_mem>>
      %dma_start3A = arith.constant 0 : i32
      %dma_start3A_293 = tpu.memref_slice %arg4[%dma_start3A, %add3A_210] : memref<1000x16384xf32, #tpu.memory_space<hbm>> -> memref<1000x128xf32, #tpu.memory_space<hbm>>
      %dma_start3A_294 = arith.constant 0 : i32
      %dma_start3A_295 = tpu.memref_slice %arg4[%dma_start3A_294, %add3A_210] : memref<1000x16384xf32, #tpu.memory_space<hbm>> -> memref<1000x128xf32, #tpu.memory_space<hbm>>
      tpu.enqueue_dma source(%arg6 : memref<1000x128xf32, #tpu.memory_space<vmem>>) target(%dma_start3A_295 : memref<1000x128xf32, #tpu.memory_space<hbm>>) target_semaphore(%run_scoped3A : memref<!tpu.dma_semaphore, #tpu.memory_space<semaphore_mem>>)
      %dma_wait3A = arith.constant 0 : i32
      %dma_wait3A_296 = tpu.memref_slice %arg4[%dma_wait3A, %add3A_210] : memref<1000x16384xf32, #tpu.memory_space<hbm>> -> memref<1000x128xf32, #tpu.memory_space<hbm>>
      %dma_wait3A_297 = arith.constant 0 : i32
      %dma_wait3A_298 = tpu.memref_slice %arg4[%dma_wait3A_297, %add3A_210] : memref<1000x16384xf32, #tpu.memory_space<hbm>> -> memref<1000x128xf32, #tpu.memory_space<hbm>>
      tpu.wait_dma2 semaphore(%run_scoped3A : memref<!tpu.dma_semaphore, #tpu.memory_space<semaphore_mem>>) src(%arg6 : memref<1000x128xf32, #tpu.memory_space<vmem>>) dst(%dma_wait3A_298 : memref<1000x128xf32, #tpu.memory_space<hbm>>)
      tpu.yield
    }) : () -> ()
    %get3A_211 = arith.constant 256 : index
    %get3A_212 = tpu.vector_load %arg5[%get3A_211] {strides = array<i32>} : memref<512xi32, #tpu.memory_space<vmem>>, vector<16xi32>,
    %add3A_213 = arith.constant 0 : i32
    %add3A_214 = vector.broadcast %add3A_213 : i32 to vector<16xi32>
    %add3A_215 = arith.addi %iota3A, %add3A_214 : vector<16xi32>
    tpu.vector_store_idx %arg6[%get3A_212, %add3A_215], %broadcast_in_dim3A_3 : memref<1000x128xf32, #tpu.memory_space<vmem>>[vector<16xi32>, vector<16xi32>], vector<16xf32>,
    %get3A_216 = arith.constant 272 : index
    %get3A_217 = tpu.vector_load %arg5[%get3A_216] {strides = array<i32>} : memref<512xi32, #tpu.memory_space<vmem>>, vector<16xi32>,
    %add3A_218 = arith.constant 16 : i32
    %add3A_219 = vector.broadcast %add3A_218 : i32 to vector<16xi32>
    %add3A_220 = arith.addi %iota3A, %add3A_219 : vector<16xi32>
    tpu.vector_store_idx %arg6[%get3A_217, %add3A_220], %broadcast_in_dim3A_3 : memref<1000x128xf32, #tpu.memory_space<vmem>>[vector<16xi32>, vector<16xi32>], vector<16xf32>,
    %get3A_221 = arith.constant 288 : index
    %get3A_222 = tpu.vector_load %arg5[%get3A_221] {strides = array<i32>} : memref<512xi32, #tpu.memory_space<vmem>>, vector<16xi32>,
    %add3A_223 = arith.constant 32 : i32
    %add3A_224 = vector.broadcast %add3A_223 : i32 to vector<16xi32>
    %add3A_225 = arith.addi %iota3A, %add3A_224 : vector<16xi32>
    tpu.vector_store_idx %arg6[%get3A_222, %add3A_225], %broadcast_in_dim3A_3 : memref<1000x128xf32, #tpu.memory_space<vmem>>[vector<16xi32>, vector<16xi32>], vector<16xf32>,
    %get3A_226 = arith.constant 304 : index
    %get3A_227 = tpu.vector_load %arg5[%get3A_226] {strides = array<i32>} : memref<512xi32, #tpu.memory_space<vmem>>, vector<16xi32>,
    %add3A_228 = arith.constant 48 : i32
    %add3A_229 = vector.broadcast %add3A_228 : i32 to vector<16xi32>
    %add3A_230 = arith.addi %iota3A, %add3A_229 : vector<16xi32>
    tpu.vector_store_idx %arg6[%get3A_227, %add3A_230], %broadcast_in_dim3A_3 : memref<1000x128xf32, #tpu.memory_space<vmem>>[vector<16xi32>, vector<16xi32>], vector<16xf32>,
    %get3A_231 = arith.constant 320 : index
    %get3A_232 = tpu.vector_load %arg5[%get3A_231] {strides = array<i32>} : memref<512xi32, #tpu.memory_space<vmem>>, vector<16xi32>,
    %add3A_233 = arith.constant 64 : i32
    %add3A_234 = vector.broadcast %add3A_233 : i32 to vector<16xi32>
    %add3A_235 = arith.addi %iota3A, %add3A_234 : vector<16xi32>
    tpu.vector_store_idx %arg6[%get3A_232, %add3A_235], %broadcast_in_dim3A_3 : memref<1000x128xf32, #tpu.memory_space<vmem>>[vector<16xi32>, vector<16xi32>], vector<16xf32>,
    %get3A_236 = arith.constant 336 : index
    %get3A_237 = tpu.vector_load %arg5[%get3A_236] {strides = array<i32>} : memref<512xi32, #tpu.memory_space<vmem>>, vector<16xi32>,
    %add3A_238 = arith.constant 80 : i32
    %add3A_239 = vector.broadcast %add3A_238 : i32 to vector<16xi32>
    %add3A_240 = arith.addi %iota3A, %add3A_239 : vector<16xi32>
    tpu.vector_store_idx %arg6[%get3A_237, %add3A_240], %broadcast_in_dim3A_3 : memref<1000x128xf32, #tpu.memory_space<vmem>>[vector<16xi32>, vector<16xi32>], vector<16xf32>,
    %get3A_241 = arith.constant 352 : index
    %get3A_242 = tpu.vector_load %arg5[%get3A_241] {strides = array<i32>} : memref<512xi32, #tpu.memory_space<vmem>>, vector<16xi32>,
    %add3A_243 = arith.constant 96 : i32
    %add3A_244 = vector.broadcast %add3A_243 : i32 to vector<16xi32>
    %add3A_245 = arith.addi %iota3A, %add3A_244 : vector<16xi32>
    tpu.vector_store_idx %arg6[%get3A_242, %add3A_245], %broadcast_in_dim3A_3 : memref<1000x128xf32, #tpu.memory_space<vmem>>[vector<16xi32>, vector<16xi32>], vector<16xf32>,
    %get3A_246 = arith.constant 368 : index
    %get3A_247 = tpu.vector_load %arg5[%get3A_246] {strides = array<i32>} : memref<512xi32, #tpu.memory_space<vmem>>, vector<16xi32>,
    %add3A_248 = arith.constant 112 : i32
    %add3A_249 = vector.broadcast %add3A_248 : i32 to vector<16xi32>
    %add3A_250 = arith.addi %iota3A, %add3A_249 : vector<16xi32>
    tpu.vector_store_idx %arg6[%get3A_247, %add3A_250], %broadcast_in_dim3A_3 : memref<1000x128xf32, #tpu.memory_space<vmem>>[vector<16xi32>, vector<16xi32>], vector<16xf32>,
    %get3A_251 = arith.constant 384 : index
    %get3A_252 = tpu.vector_load %arg5[%get3A_251] {strides = array<i32>} : memref<512xi32, #tpu.memory_space<vmem>>, vector<16xi32>,
    %add3A_253 = arith.constant 0 : i32
    %add3A_254 = vector.broadcast %add3A_253 : i32 to vector<16xi32>
    %add3A_255 = arith.addi %iota3A, %add3A_254 : vector<16xi32>
    tpu.vector_store_idx %arg6[%get3A_252, %add3A_255], %broadcast_in_dim3A_5 : memref<1000x128xf32, #tpu.memory_space<vmem>>[vector<16xi32>, vector<16xi32>], vector<16xf32>,
    %get3A_256 = arith.constant 400 : index
    %get3A_257 = tpu.vector_load %arg5[%get3A_256] {strides = array<i32>} : memref<512xi32, #tpu.memory_space<vmem>>, vector<16xi32>,
    %add3A_258 = arith.constant 16 : i32
    %add3A_259 = vector.broadcast %add3A_258 : i32 to vector<16xi32>
    %add3A_260 = arith.addi %iota3A, %add3A_259 : vector<16xi32>
    tpu.vector_store_idx %arg6[%get3A_257, %add3A_260], %broadcast_in_dim3A_5 : memref<1000x128xf32, #tpu.memory_space<vmem>>[vector<16xi32>, vector<16xi32>], vector<16xf32>,
    %get3A_261 = arith.constant 416 : index
    %get3A_262 = tpu.vector_load %arg5[%get3A_261] {strides = array<i32>} : memref<512xi32, #tpu.memory_space<vmem>>, vector<16xi32>,
    %add3A_263 = arith.constant 32 : i32
    %add3A_264 = vector.broadcast %add3A_263 : i32 to vector<16xi32>
    %add3A_265 = arith.addi %iota3A, %add3A_264 : vector<16xi32>
    tpu.vector_store_idx %arg6[%get3A_262, %add3A_265], %broadcast_in_dim3A_5 : memref<1000x128xf32, #tpu.memory_space<vmem>>[vector<16xi32>, vector<16xi32>], vector<16xf32>,
    %get3A_266 = arith.constant 432 : index
    %get3A_267 = tpu.vector_load %arg5[%get3A_266] {strides = array<i32>} : memref<512xi32, #tpu.memory_space<vmem>>, vector<16xi32>,
    %add3A_268 = arith.constant 48 : i32
    %add3A_269 = vector.broadcast %add3A_268 : i32 to vector<16xi32>
    %add3A_270 = arith.addi %iota3A, %add3A_269 : vector<16xi32>
    tpu.vector_store_idx %arg6[%get3A_267, %add3A_270], %broadcast_in_dim3A_5 : memref<1000x128xf32, #tpu.memory_space<vmem>>[vector<16xi32>, vector<16xi32>], vector<16xf32>,
    %get3A_271 = arith.constant 448 : index
    %get3A_272 = tpu.vector_load %arg5[%get3A_271] {strides = array<i32>} : memref<512xi32, #tpu.memory_space<vmem>>, vector<16xi32>,
    %add3A_273 = arith.constant 64 : i32
    %add3A_274 = vector.broadcast %add3A_273 : i32 to vector<16xi32>
    %add3A_275 = arith.addi %iota3A, %add3A_274 : vector<16xi32>
    tpu.vector_store_idx %arg6[%get3A_272, %add3A_275], %broadcast_in_dim3A_5 : memref<1000x128xf32, #tpu.memory_space<vmem>>[vector<16xi32>, vector<16xi32>], vector<16xf32>,
    %get3A_276 = arith.constant 464 : index
    %get3A_277 = tpu.vector_load %arg5[%get3A_276] {strides = array<i32>} : memref<512xi32, #tpu.memory_space<vmem>>, vector<16xi32>,
    %add3A_278 = arith.constant 80 : i32
    %add3A_279 = vector.broadcast %add3A_278 : i32 to vector<16xi32>
    %add3A_280 = arith.addi %iota3A, %add3A_279 : vector<16xi32>
    tpu.vector_store_idx %arg6[%get3A_277, %add3A_280], %broadcast_in_dim3A_5 : memref<1000x128xf32, #tpu.memory_space<vmem>>[vector<16xi32>, vector<16xi32>], vector<16xf32>,
    %get3A_281 = arith.constant 480 : index
    %get3A_282 = tpu.vector_load %arg5[%get3A_281] {strides = array<i32>} : memref<512xi32, #tpu.memory_space<vmem>>, vector<16xi32>,
    %add3A_283 = arith.constant 96 : i32
    %add3A_284 = vector.broadcast %add3A_283 : i32 to vector<16xi32>
    %add3A_285 = arith.addi %iota3A, %add3A_284 : vector<16xi32>
    tpu.vector_store_idx %arg6[%get3A_282, %add3A_285], %broadcast_in_dim3A_5 : memref<1000x128xf32, #tpu.memory_space<vmem>>[vector<16xi32>, vector<16xi32>], vector<16xf32>,
    %get3A_286 = arith.constant 496 : index
    %get3A_287 = tpu.vector_load %arg5[%get3A_286] {strides = array<i32>} : memref<512xi32, #tpu.memory_space<vmem>>, vector<16xi32>,
    %add3A_288 = arith.constant 112 : i32
    %add3A_289 = vector.broadcast %add3A_288 : i32 to vector<16xi32>
    %add3A_290 = arith.addi %iota3A, %add3A_289 : vector<16xi32>
    tpu.vector_store_idx %arg6[%get3A_287, %add3A_290], %broadcast_in_dim3A_5 : memref<1000x128xf32, #tpu.memory_space<vmem>>[vector<16xi32>, vector<16xi32>], vector<16xf32>,
    %add3A_291 = arith.constant 384 : i32
    %add3A_292 = arith.addi %mul3A_2, %add3A_291 : i32
    "tpu.region"() ({
      %run_scoped3A = tpu.sem_alloc : memref<!tpu.dma_semaphore, #tpu.memory_space<semaphore_mem>>
      %dma_start3A = arith.constant 0 : i32
      %dma_start3A_293 = tpu.memref_slice %arg4[%dma_start3A, %add3A_292] : memref<1000x16384xf32, #tpu.memory_space<hbm>> -> memref<1000x128xf32, #tpu.memory_space<hbm>>
      %dma_start3A_294 = arith.constant 0 : i32
      %dma_start3A_295 = tpu.memref_slice %arg4[%dma_start3A_294, %add3A_292] : memref<1000x16384xf32, #tpu.memory_space<hbm>> -> memref<1000x128xf32, #tpu.memory_space<hbm>>
      tpu.enqueue_dma source(%arg6 : memref<1000x128xf32, #tpu.memory_space<vmem>>) target(%dma_start3A_295 : memref<1000x128xf32, #tpu.memory_space<hbm>>) target_semaphore(%run_scoped3A : memref<!tpu.dma_semaphore, #tpu.memory_space<semaphore_mem>>)
      %dma_wait3A = arith.constant 0 : i32
      %dma_wait3A_296 = tpu.memref_slice %arg4[%dma_wait3A, %add3A_292] : memref<1000x16384xf32, #tpu.memory_space<hbm>> -> memref<1000x128xf32, #tpu.memory_space<hbm>>
      %dma_wait3A_297 = arith.constant 0 : i32
      %dma_wait3A_298 = tpu.memref_slice %arg4[%dma_wait3A_297, %add3A_292] : memref<1000x16384xf32, #tpu.memory_space<hbm>> -> memref<1000x128xf32, #tpu.memory_space<hbm>>
      tpu.wait_dma2 semaphore(%run_scoped3A : memref<!tpu.dma_semaphore, #tpu.memory_space<semaphore_mem>>) src(%arg6 : memref<1000x128xf32, #tpu.memory_space<vmem>>) dst(%dma_wait3A_298 : memref<1000x128xf32, #tpu.memory_space<hbm>>)
      tpu.yield
    }) : () -> ()
    return
  }
}

</mosaic_0001>

<sc_bundles>
// kernel: kernel.3.cloned.1.call-start
scs
__scs_entry_jumppad:
0x0: {  	(pc) =	sbr.rel $0x88, $3  }
0x1: {  	(tag) =	ssettag $0x0;
	lr =	simm.s32 $0x1  }
0x2: {  	[smem:$0x3FA0] =	sst lr;
	_ =	strace $0xD0000000  }
0x3: {  	_ = 	snop  }
0x4: {  	_ = 	snop  }
0x5: {  	_ = 	snop  }
0x6: {  	_ = 	snop  }
0x7: {  	_ = 	snop  }
__scs_overlays_trampoline_lowered:
0x8: {  	[smem:$0x3FAF] =	sst s0  }
0x9: {  	[smem:$0x3FB0] =	sst s1  }
0xa: {  	[smem:$0x3FB1] =	sst s2  }
0xb: {  	[smem:$0x3FB2] =	sst s3  }
0xc: {  	[smem:$0x3FB3] =	sst s4  }
0xd: {  	[smem:$0x3FB4] =	sst s5  }
0xe: {  	[smem:$0x3FB5] =	sst s6  }
0xf: {  	[smem:$0x3FB6] =	sst s7  }
0x10: {  	[smem:$0x3FB7] =	sst s8  }
0x11: {  	[smem:$0x3FB8] =	sst s9;
	s0 =	simm.s32 @!p0 $0x0  }
0x12: {  	s1 =	sld [smem:$0x3F9E];
	s0 =	simm.s32 @p0 $0x1  }
0x13: {  	[smem:$0x3FB9] =	sst s0;
	s0 =	simm.s32 @!p1 $0x0  }
0x14: {  	s2 =	sld [smem:$0x3F9D];
	s0 =	simm.s32 @p1 $0x1  }
0x15: {  	[smem:$0x3FBA] =	sst s0;
	s0 =	simm.s32 @!p2 $0x0  }
0x16: {  	s3 =	sld [smem:$0x3FDB];
	s0 =	simm.s32 @p2 $0x1  }
0x17: {  	s4 =	simm.s32 $0x1BF5;
	[smem:$0x3FBC] =	sst s0  }
0x18: {  	s0 =	sld [smem:$0x3F9F];
	_ =	swait.ge [sflag:s4], $0x0  }
0x19: {  	s7 =	sld [smem:$0x3FA0]  }
0x1a: {  	s8 =	sadd.s32 $0xFFFFE003, lr  }
0x1b: {  	s9 =	sadd.s32 $0xFFFFFEF7, lr;
	s5 =	simm.s32 $0xFFFFFFFF;
	p2 =	slt.u32 s8, $0xFFFFF086  }
0x1c: {  	p1 =	slt.u32 s9, $0xF7A;
	s5 =	simm.s32 @!p2 $0x0  }
0x1d: {  	s5 =	simm.s32 @p1 $0x1;
	p0 =	seq.s32 s7, s2  }
0x1e: {  	s7 =	smul.u32 @!p0 $0xF7A, s2;
	p2 =	seq.s32 @!p0 s5, $0x0  }
0x1f: {  	s9 =	smul.u32 $0xF7A, s1;
	s8 =	simm.s32 @!p0 $0x1BF5;
	p2 =	por !p2, p0  }
0x20: {  	[sflag:s8] =	ssyncset.s32 @!p0 $0xFFFFF086;
	s6 =	sadd.s32 @!p0 s3, s7;
	s7 =	simm.s32 @!p0 $0x108  }
0x21: {  	s3 =	sadd.s32 s3, s9;
	s6 =	sadd.s32 @!p0 $0x88, s6;
	s7 =	simm.s32 @p2 $0x1082  }
0x22: {  	[simem:s7], [sflag:s8] =	dma.local @!p0 [hbm:s6], $0xF7A  }
0x23: {  	s9 =	sor.u32 $0xD0000000, s2;
	s6 =	simm.s32 $0x108;
	_ =	swait.ge @!p0 [sflag:s8], $0x0  }
0x24: {  	s3 =	sadd.s32 $0x88, s3;
	s6 =	simm.s32 @!p1 $0x1082;
	[sflag:s4] =	ssyncset.s32 $0xFFFFF086  }
0x25: {  	[simem:s6], [sflag:s4] =	dma.local [hbm:s3], $0xF7A  }
0x26: {  	[smem:$0x3FA0] =	sst s1;
	(tag) =	ssettag s2;
	_ =	strace s9  }
0x27: {  	s1 =	sld [smem:$0x3FB0]  }
0x28: {  	s2 =	sld [smem:$0x3FB1]  }
0x29: {  	s4 =	sld [smem:$0x3FB3]  }
0x2a: {  	p0 =	seq.s32 s5, $0x0;
	s5 =	sld [smem:$0x3FB4]  }
0x2b: {  	s6 =	sld [smem:$0x3FB5]  }
0x2c: {  	s7 =	sld [smem:$0x3FB6]  }
0x2d: {  	s3 =	simm.s32 $0x108;
	s8 =	sld [smem:$0x3FB7]  }
0x2e: {  	s3 =	simm.s32 @!p0 $0x1082;
	s9 =	sld [smem:$0x3FB8]  }
0x2f: {  	lr =	sadd.s32 s0, s3;
	s0 =	sld [smem:$0x3FAF]  }
0x30: {  	s3 =	sld [smem:$0x3FB2]  }
0x31: {  	[smem:$0x3FBB] =	sst s10  }
0x32: {  	s10 =	sld [smem:$0x3FB9];
	_ =	sdelay $0x3  }
0x33: {  	p0 =	seq.s32 s10, $0x1;
	s10 =	sld [smem:$0x3FBB];
	_ =	sdelay $0x3  }
0x34: {  	[smem:$0x3FBB] =	sst s10  }
0x35: {  	s10 =	sld [smem:$0x3FBA];
	_ =	sdelay $0x3  }
0x36: {  	p1 =	seq.s32 s10, $0x1;
	s10 =	sld [smem:$0x3FBB];
	_ =	sdelay $0x3  }
0x37: {  	[smem:$0x3FBB] =	sst s10  }
0x38: {  	s10 =	sld [smem:$0x3FBC]  }
0x39: {  	_ = 	snop;
	(pc) =	sbr.ind lr, $3  }
0x3a: {  	_ = 	snop  }
0x3b: {  	_ = 	snop  }
0x3c: {  	p2 =	seq.s32 s10, $0x1;
	s10 =	sld [smem:$0x3FBB]  }
0x3d: {  	_ =	shalt  }
0x3e: {  	_ =	shalt  }
0x3f: {  	_ =	shalt  }
0x40: {  	_ =	shalt  }
0x41: {  	_ =	shalt  }
0x42: {  	_ =	shalt  }
0x43: {  	_ =	shalt  }
0x44: {  	_ =	shalt  }
0x45: {  	_ =	shalt  }
0x46: {  	_ =	shalt  }
0x47: {  	_ =	shalt  }
0x48: {  	_ =	shalt  }
0x49: {  	_ =	shalt  }
0x4a: {  	_ =	shalt  }
0x4b: {  	_ =	shalt  }
0x4c: {  	_ =	shalt  }
0x4d: {  	_ =	shalt  }
0x4e: {  	_ =	shalt  }
0x4f: {  	_ =	shalt  }
0x50: {  	_ =	shalt  }
0x51: {  	_ =	shalt  }
0x52: {  	_ =	shalt  }
0x53: {  	_ =	shalt  }
0x54: {  	_ =	shalt  }
0x55: {  	_ =	shalt  }
0x56: {  	_ =	shalt  }
0x57: {  	_ =	shalt  }
0x58: {  	_ =	shalt  }
0x59: {  	_ =	shalt  }
0x5a: {  	_ =	shalt  }
0x5b: {  	_ =	shalt  }
0x5c: {  	_ =	shalt  }
0x5d: {  	_ =	shalt  }
0x5e: {  	_ =	shalt  }
0x5f: {  	_ =	shalt  }
0x60: {  	_ =	shalt  }
0x61: {  	_ =	shalt  }
0x62: {  	_ =	shalt  }
0x63: {  	_ =	shalt  }
0x64: {  	_ =	shalt  }
0x65: {  	_ =	shalt  }
0x66: {  	_ =	shalt  }
0x67: {  	_ =	shalt  }
0x68: {  	_ =	shalt  }
0x69: {  	_ =	shalt  }
0x6a: {  	_ =	shalt  }
0x6b: {  	_ =	shalt  }
0x6c: {  	_ =	shalt  }
0x6d: {  	_ =	shalt  }
0x6e: {  	_ =	shalt  }
0x6f: {  	_ =	shalt  }
0x70: {  	_ =	shalt  }
0x71: {  	_ =	shalt  }
0x72: {  	_ =	shalt  }
0x73: {  	_ =	shalt  }
0x74: {  	_ =	shalt  }
0x75: {  	_ =	shalt  }
0x76: {  	_ =	shalt  }
0x77: {  	_ =	shalt  }
0x78: {  	_ =	shalt  }
0x79: {  	_ =	shalt  }
0x7a: {  	_ =	shalt  }
0x7b: {  	_ =	shalt  }
0x7c: {  	_ =	shalt  }
0x7d: {  	_ =	shalt  }
0x7e: {  	_ =	shalt  }
0x7f: {  	_ =	shalt  }
0x80: {  	_ =	shalt  }
0x81: {  	_ =	shalt  }
0x82: {  	_ =	shalt  }
0x83: {  	_ =	shalt  }
0x84: {  	_ =	shalt  }
0x85: {  	_ =	shalt  }
0x86: {  	_ =	shalt  }
0x87: {  	_ =	shalt  }
.Lfunc_end0:
.L_simem_size_0:
called_computation_lowered:
.L_overlay_start_0:
0x88: {  	s2 =	sld [smem:$0x3FD9]  }
0x89: {  	s3 =	sld [smem:$0x3FFE];
	_ =	sdelay $0x1  }
0x8a: {  	s1 =	srdreg.scid  }
0x8b: {  	s0 =	sand.u32 $0x1, s1  }
0x8c: {  	s17 =	sshll.u32 s0, $0xA;
	s2 =	sadd.s32 s3, s2  }
0x8d: {  	s2 =	sadd.s32 s2, s17  }
0x8e: {  	[smem:$0x3FC7] =	sst s2  }
0x8f: {  	_ = 	snop  }
0x90: {  	s2 =	sld [smem:$0x3FC9]  }
0x91: {  	s18 =	sld [smem:$0x3FD0];
	(tm) =	ssettm $0x1  }
0x92: {  	s4 =	sld [smem:$0x3FFB];
	_ =	sdelay $0x3  }
0x93: {  	_ =	strace s4  }
0x94: {  	s4 =	sld [smem:$0x3FFC];
	_ =	sdelay $0x3  }
0x95: {  	_ =	strace s4  }
0x96: {  	s4 =	sld [smem:$0x3FFD];
	_ =	sdelay $0x3  }
0x97: {  	_ =	strace s4  }
0x98: {  	_ =	strace $0x8FFFFFFF  }
0x99: {  	s19 =	sld [smem:$0x3FDB];
	_ =	sdelay $0x1  }
0x9a: {  	s5 =	simm.s32 $_scs_section_size  }
0x9b: {  	s6 =	simm.s32 $_size__tile_overlayer_lowered;
	s7 =	simm.s32 $_tile_overlayer_lowered  }
0x9c: {  	s22 =	simm.s32 $0x1BFF;
	s21 =	sshll.u32 s7, $0x1;
	s4 =	sadd.s32 s5, s19  }
0x9d: {  	s8 =	simm.s32 $0x0;
	s20 =	sshll.u32 s6, $0x1;
	s6 =	sadd.s32 s21, s4  }
0x9e: {  	[timem:s8], [sflag:s22] =	dma.local [hbm:s6], s20  }
0x9f: {  	_ =	swait.ge [sflag:s22], s20  }
0xa0: {  	s5 =	ssub.s32 $0x0, s20;
	[sflag:s22] =	ssyncset.done $0x0  }
0xa1: {  	[sflag:s22] =	ssyncadd.s32 s5;
	_ =	sdelay $0x1  }
0xa2: {  	s23 =	simm.s32 $0x1B8B  }
0xa3: {  	_ =	swait.ge [sflag:s23], $0x1  }
0xa4: {  	[sflag:s23] =	ssyncset.done $0x0  }
0xa5: {  	s25 =	simm.s32 $0x1B8E;
	s24 =	sld [smem:$0x3FFE];
	[sflag:s23] =	ssyncadd.s32 $0xFFFFFFFF  }
0xa6: {  	s26 =	simm.s32 $execute0_lowered;
	[smem:$0x3FD2] =	sst s25  }
0xa7: {  	s6 =	sshll.u32 s26, $0x1;
	_ =	strace $0x80000046;
	[dreg:$0x1] =	wrdreg $0xFFFFFFFF  }
0xa8: {  	s28 =	simm.s32 $_size_execute0_lowered;
	s4 =	sadd.s32 s4, s6;
	[dreg:$0x0] =	wrdreg $0x0  }
0xa9: {  	s6 =	sshll.u32 s28, $0x1;
	[dreg:$0x2] =	wrdreg s4  }
0xaa: {  	[dreg:$0x3] =	wrdreg s6  }
0xab: {  	[dreg:$0x4] =	wrdreg $0xC0  }
0xac: {  	_ =	task [dreg:s8], $0x5FFFF  }
0xad: {  	[dreg:$0x1] =	wrdreg $0xFFFFFFFF  }
0xae: {  	[dreg:$0x0] =	wrdreg $0x60  }
0xaf: {  	[dreg:$0x2] =	wrdreg s2  }
0xb0: {  	[dreg:$0x3] =	wrdreg s24  }
0xb1: {  	[dreg:$0x4] =	wrdreg s18  }
0xb2: {  	[dreg:$0x5] =	wrdreg $0x9  }
0xb3: {  	_ =	task.clear_ibuf [dreg:s8], $0x6FFFF;
	_ =	strace $0x90000046  }
0xb4: {  	s29 =	simm.s32 $0x9;
	_ =	strace $0x80000048  }
0xb5: {  	_ =	swait.ge [sflag:s29], $0x1  }
0xb6: {  	[sflag:s29] =	ssyncadd.s32 $0xFFFFFFFF  }
0xb7: {  	_ =	strace $0x90000048  }
0xb8: {  	_ =	sfence  }
0xb9: {  	s30 =	sld [smem:$0x0];
	_ =	sdelay $0x2  }
0xba: {  	s31 =	sshll.u32 s1, $0xD;
	s1 =	sshrl.u32 s1, $0x2  }
0xbb: {  	s3 =	sand.u32 $0x4000, s31;
	s1 =	sadd.s32 s1, s30  }
0xbc: {  	s0 =	sor.u32 s3, s0;
	s1 =	sshll.u32 s1, $0x11  }
0xbd: {  	s0 =	sor.u32 s1, s0  }
0xbe: {  	s0 =	sadd.s32 $0x8F2B, s0  }
0xbf: {  	[sflag:s0] =	ssyncadd.remote.s32 $0x1  }
0xc0: {  	_ =	sfence.sel $0xFFFF  }
0xc1: {  	[dreg:$0x0] =	wrdreg $0xFFFFFFFF;
	(pc) =	sbr.abs _section_cstart, $3  }
0xc2: {  	[dreg:$0x1] =	wrdreg $0xFFFFFFFF  }
0xc3: {  	_ =	task.clear_ibuf [dreg:s8], $0x2FFFF;
	_ =	strace $0x9FFFFFFF  }
0xc4: {  	(tm) =	ssettm $0x7FFFFFFF  }
0xc5: {  	_ =	shalt  }
tec
execute0_lowered:
.L_overlay_start_1:
0x0: {  	(tag) =	ssettag $0x1  }
0x1: {  	s5 =	rddreg [dreg:$0x0]  }
0x2: {  	s3 =	rddreg [dreg:$0x1]  }
0x3: {  	s4 =	rddreg [dreg:$0x2]  }
0x4: {  	s0 =	rddreg [dreg:$0x3]  }
0x5: {  	s2 =	simm.s32 $0x0;
	s6 =	srdreg.scid;
	s1 =	stileid.u32  }
0x6: {  	s10 =	simm.s32 $0x1;
	s11 =	simm.s32 $0x200;
	s12 =	simm.s32 $0x400  }
0x7: {  	s13 =	simm.s32 $0x20000;
	[smem:$0x7FF] =	sst s2;
	s6 =	sand.u32 $0x1, s6  }
0x8: {  	s8 =	sshll.u32 s1, $0xA;
	s7 =	ssub.s32 $0x2, s6;
	s6 =	sshll.u32 s6, $0x9  }
0x9: {  	v0 =	vlaneseq.u32;
	s3 =	sadd.s32 $0x400, s3;
	_ =	strace $0x80000047;
	s6 =	sor.u32 s6, s8  }
0xa: {  	v1 =	vimm.f32 $1.000000000e+00;
	v9 =	vimm.f32 $0.0e+00;
	v2 =	vor.u32 $0x10, v0;
	s9 =	sshrl.u32 s7, $0x1;
	s31 =	sshrl.u32 s6, $0x3;
	s4 =	sadd.s32 s4, s6  }
0xb: {  	v3 =	vor.u32 $0x20, v0;
	v4 =	vor.u32 $0x30, v0;
	v5 =	vor.u32 $0x40, v0;
	s9 =	ssub.s32 s7, s9;
	s5 =	sadd.s32 s5, s31;
	s6 =	sadd.s32 $0x80, s4  }
0xc: {  	v6 =	vor.u32 $0x50, v0;
	v7 =	vor.u32 $0x60, v0;
	v8 =	vor.u32 $0x70, v0;
	s7 =	sadd.s32 $0x100, s4;
	s8 =	sadd.s32 $0x180, s4;
	s9 =	smax.u32 s9, $0x1  }
.LBB2_1:
0xd: {  	[tilespmem:s2], [sflag:$0x1] =	stream.linear.gather [hbm4b:s5+s2], $0x200, $0x38;
	[tilespmem:$0x1F600] =	vst v63  }
0xe: {  	_ =	swait.ge [sflag:s10], $0x200  }
0xf: {  	[sflag:s10] =	ssyncset.done $0x0  }
0x10: {  	[sflag:s10] =	ssyncadd.s32 $0xFFFFFE00  }
0x11: {  	[tilespmem:s11], [sflag:$0x1] =	stream.linear.gather [hbm4b:s3+s2], $0x1F400, $0x38;
	[tilespmem:$0x1F600] =	vst v63  }
0x12: {  	_ =	swait.ge [sflag:s10], $0x1F400  }
0x13: {  	[sflag:s10] =	ssyncset.done $0x0  }
0x14: {  	[sflag:s10] =	ssyncadd.s32 $0xFFFE0C00  }
0x15: {  	v10 =	vld [tilespmem:$0x0];
	_ =	sdelay $0x4  }
0x16: {  	v10 =	vshll.u32 v10, $0x7  }
0x17: {  	v10 =	vor.u32 v0, v10;
	_ =	sdelay $0x4  }
0x18: {  	[tilespmem:v10+s11+$0x0] =	vst.idx.msk $0xffff, v1  }
0x19: {  	v10 =	vld [tilespmem:$0x10];
	_ =	sdelay $0x4  }
0x1a: {  	v10 =	vshll.u32 v10, $0x7  }
0x1b: {  	v10 =	vor.u32 v2, v10;
	_ =	sdelay $0x4  }
0x1c: {  	[tilespmem:v10+s11+$0x0] =	vst.idx.msk $0xffff, v1  }
0x1d: {  	v10 =	vld [tilespmem:$0x20];
	_ =	sdelay $0x4  }
0x1e: {  	v10 =	vshll.u32 v10, $0x7  }
0x1f: {  	v10 =	vor.u32 v3, v10;
	_ =	sdelay $0x4  }
0x20: {  	[tilespmem:v10+s11+$0x0] =	vst.idx.msk $0xffff, v1  }
0x21: {  	v10 =	vld [tilespmem:$0x30];
	_ =	sdelay $0x4  }
0x22: {  	v10 =	vshll.u32 v10, $0x7  }
0x23: {  	v10 =	vor.u32 v4, v10;
	_ =	sdelay $0x4  }
0x24: {  	[tilespmem:v10+s11+$0x0] =	vst.idx.msk $0xffff, v1  }
0x25: {  	v10 =	vld [tilespmem:$0x40];
	_ =	sdelay $0x4  }
0x26: {  	v10 =	vshll.u32 v10, $0x7  }
0x27: {  	v10 =	vor.u32 v5, v10;
	_ =	sdelay $0x4  }
0x28: {  	[tilespmem:v10+s11+$0x0] =	vst.idx.msk $0xffff, v1  }
0x29: {  	v10 =	vld [tilespmem:$0x50];
	_ =	sdelay $0x4  }
0x2a: {  	v10 =	vshll.u32 v10, $0x7  }
0x2b: {  	v10 =	vor.u32 v6, v10;
	_ =	sdelay $0x4  }
0x2c: {  	[tilespmem:v10+s11+$0x0] =	vst.idx.msk $0xffff, v1  }
0x2d: {  	v10 =	vld [tilespmem:$0x60];
	_ =	sdelay $0x4  }
0x2e: {  	v10 =	vshll.u32 v10, $0x7  }
0x2f: {  	v10 =	vor.u32 v7, v10;
	_ =	sdelay $0x4  }
0x30: {  	[tilespmem:v10+s11+$0x0] =	vst.idx.msk $0xffff, v1  }
0x31: {  	v10 =	vld [tilespmem:$0x70];
	_ =	sdelay $0x4  }
0x32: {  	v10 =	vshll.u32 v10, $0x7  }
0x33: {  	v10 =	vor.u32 v8, v10;
	_ =	sdelay $0x4  }
0x34: {  	[tilespmem:v10+s11+$0x0] =	vst.idx.msk $0xffff, v1  }
0x35: {  	[hbm4b:s4+s12] =	stream.strided.scatter [tilespmem:s11], [sflag:$0x1], $0x1F400, s13, s12, $0x38;
	[tilespmem:$0x1F600] =	vst v63  }
0x36: {  	_ =	swait.ge [sflag:s10], $0x1F400  }
0x37: {  	[sflag:s10] =	ssyncset.done $0x0  }
0x38: {  	[sflag:s10] =	ssyncadd.s32 $0xFFFE0C00  }
0x39: {  	v10 =	vld [tilespmem:$0x0];
	_ =	sdelay $0x4  }
0x3a: {  	v10 =	vshll.u32 v10, $0x7  }
0x3b: {  	v10 =	vor.u32 v0, v10;
	_ =	sdelay $0x4  }
0x3c: {  	[tilespmem:v10+s11+$0x0] =	vst.idx.msk $0xffff, v9  }
0x3d: {  	v10 =	vld [tilespmem:$0x10];
	_ =	sdelay $0x4  }
0x3e: {  	v10 =	vshll.u32 v10, $0x7  }
0x3f: {  	v10 =	vor.u32 v2, v10;
	_ =	sdelay $0x4  }
0x40: {  	[tilespmem:v10+s11+$0x0] =	vst.idx.msk $0xffff, v9  }
0x41: {  	v10 =	vld [tilespmem:$0x20];
	_ =	sdelay $0x4  }
0x42: {  	v10 =	vshll.u32 v10, $0x7  }
0x43: {  	v10 =	vor.u32 v3, v10;
	_ =	sdelay $0x4  }
0x44: {  	[tilespmem:v10+s11+$0x0] =	vst.idx.msk $0xffff, v9  }
0x45: {  	v10 =	vld [tilespmem:$0x30];
	_ =	sdelay $0x4  }
0x46: {  	v10 =	vshll.u32 v10, $0x7  }
0x47: {  	v10 =	vor.u32 v4, v10;
	_ =	sdelay $0x4  }
0x48: {  	[tilespmem:v10+s11+$0x0] =	vst.idx.msk $0xffff, v9  }
0x49: {  	v10 =	vld [tilespmem:$0x40];
	_ =	sdelay $0x4  }
0x4a: {  	v10 =	vshll.u32 v10, $0x7  }
0x4b: {  	v10 =	vor.u32 v5, v10;
	_ =	sdelay $0x4  }
0x4c: {  	[tilespmem:v10+s11+$0x0] =	vst.idx.msk $0xffff, v9  }
0x4d: {  	v10 =	vld [tilespmem:$0x50];
	_ =	sdelay $0x4  }
0x4e: {  	v10 =	vshll.u32 v10, $0x7  }
0x4f: {  	v10 =	vor.u32 v6, v10;
	_ =	sdelay $0x4  }
0x50: {  	[tilespmem:v10+s11+$0x0] =	vst.idx.msk $0xffff, v9  }
0x51: {  	v10 =	vld [tilespmem:$0x60];
	_ =	sdelay $0x4  }
0x52: {  	v10 =	vshll.u32 v10, $0x7  }
0x53: {  	v10 =	vor.u32 v7, v10;
	_ =	sdelay $0x4  }
0x54: {  	[tilespmem:v10+s11+$0x0] =	vst.idx.msk $0xffff, v9  }
0x55: {  	v10 =	vld [tilespmem:$0x70];
	_ =	sdelay $0x4  }
0x56: {  	v10 =	vshll.u32 v10, $0x7  }
0x57: {  	v10 =	vor.u32 v8, v10;
	_ =	sdelay $0x4  }
0x58: {  	[tilespmem:v10+s11+$0x0] =	vst.idx.msk $0xffff, v9  }
0x59: {  	v10 =	vld [tilespmem:$0x80];
	_ =	sdelay $0x4  }
0x5a: {  	v10 =	vshll.u32 v10, $0x7  }
0x5b: {  	v10 =	vor.u32 v0, v10;
	_ =	sdelay $0x4  }
0x5c: {  	[tilespmem:v10+s11+$0x0] =	vst.idx.msk $0xffff, v1  }
0x5d: {  	v10 =	vld [tilespmem:$0x90];
	_ =	sdelay $0x4  }
0x5e: {  	v10 =	vshll.u32 v10, $0x7  }
0x5f: {  	v10 =	vor.u32 v2, v10;
	_ =	sdelay $0x4  }
0x60: {  	[tilespmem:v10+s11+$0x0] =	vst.idx.msk $0xffff, v1  }
0x61: {  	v10 =	vld [tilespmem:$0xA0];
	_ =	sdelay $0x4  }
0x62: {  	v10 =	vshll.u32 v10, $0x7  }
0x63: {  	v10 =	vor.u32 v3, v10;
	_ =	sdelay $0x4  }
0x64: {  	[tilespmem:v10+s11+$0x0] =	vst.idx.msk $0xffff, v1  }
0x65: {  	v10 =	vld [tilespmem:$0xB0];
	_ =	sdelay $0x4  }
0x66: {  	v10 =	vshll.u32 v10, $0x7  }
0x67: {  	v10 =	vor.u32 v4, v10;
	_ =	sdelay $0x4  }
0x68: {  	[tilespmem:v10+s11+$0x0] =	vst.idx.msk $0xffff, v1  }
0x69: {  	v10 =	vld [tilespmem:$0xC0];
	_ =	sdelay $0x4  }
0x6a: {  	v10 =	vshll.u32 v10, $0x7  }
0x6b: {  	v10 =	vor.u32 v5, v10;
	_ =	sdelay $0x4  }
0x6c: {  	[tilespmem:v10+s11+$0x0] =	vst.idx.msk $0xffff, v1  }
0x6d: {  	v10 =	vld [tilespmem:$0xD0];
	_ =	sdelay $0x4  }
0x6e: {  	v10 =	vshll.u32 v10, $0x7  }
0x6f: {  	v10 =	vor.u32 v6, v10;
	_ =	sdelay $0x4  }
0x70: {  	[tilespmem:v10+s11+$0x0] =	vst.idx.msk $0xffff, v1  }
0x71: {  	v10 =	vld [tilespmem:$0xE0];
	_ =	sdelay $0x4  }
0x72: {  	v10 =	vshll.u32 v10, $0x7  }
0x73: {  	v10 =	vor.u32 v7, v10;
	_ =	sdelay $0x4  }
0x74: {  	[tilespmem:v10+s11+$0x0] =	vst.idx.msk $0xffff, v1  }
0x75: {  	v10 =	vld [tilespmem:$0xF0];
	_ =	sdelay $0x4  }
0x76: {  	v10 =	vshll.u32 v10, $0x7  }
0x77: {  	v10 =	vor.u32 v8, v10;
	_ =	sdelay $0x4  }
0x78: {  	[tilespmem:v10+s11+$0x0] =	vst.idx.msk $0xffff, v1  }
0x79: {  	[hbm4b:s6+s12] =	stream.strided.scatter [tilespmem:s11], [sflag:$0x1], $0x1F400, s13, s12, $0x38;
	[tilespmem:$0x1F600] =	vst v63  }
0x7a: {  	_ =	swait.ge [sflag:s10], $0x1F400  }
0x7b: {  	[sflag:s10] =	ssyncset.done $0x0  }
0x7c: {  	[sflag:s10] =	ssyncadd.s32 $0xFFFE0C00  }
0x7d: {  	v10 =	vld [tilespmem:$0x80];
	_ =	sdelay $0x4  }
0x7e: {  	v10 =	vshll.u32 v10, $0x7  }
0x7f: {  	v10 =	vor.u32 v0, v10;
	_ =	sdelay $0x4  }
0x80: {  	[tilespmem:v10+s11+$0x0] =	vst.idx.msk $0xffff, v9  }
0x81: {  	v10 =	vld [tilespmem:$0x90];
	_ =	sdelay $0x4  }
0x82: {  	v10 =	vshll.u32 v10, $0x7  }
0x83: {  	v10 =	vor.u32 v2, v10;
	_ =	sdelay $0x4  }
0x84: {  	[tilespmem:v10+s11+$0x0] =	vst.idx.msk $0xffff, v9  }
0x85: {  	v10 =	vld [tilespmem:$0xA0];
	_ =	sdelay $0x4  }
0x86: {  	v10 =	vshll.u32 v10, $0x7  }
0x87: {  	v10 =	vor.u32 v3, v10;
	_ =	sdelay $0x4  }
0x88: {  	[tilespmem:v10+s11+$0x0] =	vst.idx.msk $0xffff, v9  }
0x89: {  	v10 =	vld [tilespmem:$0xB0];
	_ =	sdelay $0x4  }
0x8a: {  	v10 =	vshll.u32 v10, $0x7  }
0x8b: {  	v10 =	vor.u32 v4, v10;
	_ =	sdelay $0x4  }
0x8c: {  	[tilespmem:v10+s11+$0x0] =	vst.idx.msk $0xffff, v9  }
0x8d: {  	v10 =	vld [tilespmem:$0xC0];
	_ =	sdelay $0x4  }
0x8e: {  	v10 =	vshll.u32 v10, $0x7  }
0x8f: {  	v10 =	vor.u32 v5, v10;
	_ =	sdelay $0x4  }
0x90: {  	[tilespmem:v10+s11+$0x0] =	vst.idx.msk $0xffff, v9  }
0x91: {  	v10 =	vld [tilespmem:$0xD0];
	_ =	sdelay $0x4  }
0x92: {  	v10 =	vshll.u32 v10, $0x7  }
0x93: {  	v10 =	vor.u32 v6, v10;
	_ =	sdelay $0x4  }
0x94: {  	[tilespmem:v10+s11+$0x0] =	vst.idx.msk $0xffff, v9  }
0x95: {  	v10 =	vld [tilespmem:$0xE0];
	_ =	sdelay $0x4  }
0x96: {  	v10 =	vshll.u32 v10, $0x7  }
0x97: {  	v10 =	vor.u32 v7, v10;
	_ =	sdelay $0x4  }
0x98: {  	[tilespmem:v10+s11+$0x0] =	vst.idx.msk $0xffff, v9  }
0x99: {  	v10 =	vld [tilespmem:$0xF0];
	_ =	sdelay $0x4  }
0x9a: {  	v10 =	vshll.u32 v10, $0x7  }
0x9b: {  	v10 =	vor.u32 v8, v10;
	_ =	sdelay $0x4  }
0x9c: {  	[tilespmem:v10+s11+$0x0] =	vst.idx.msk $0xffff, v9  }
0x9d: {  	v10 =	vld [tilespmem:$0x100];
	_ =	sdelay $0x4  }
0x9e: {  	v10 =	vshll.u32 v10, $0x7  }
0x9f: {  	v10 =	vor.u32 v0, v10;
	_ =	sdelay $0x4  }
0xa0: {  	[tilespmem:v10+s11+$0x0] =	vst.idx.msk $0xffff, v1  }
0xa1: {  	v10 =	vld [tilespmem:$0x110];
	_ =	sdelay $0x4  }
0xa2: {  	v10 =	vshll.u32 v10, $0x7  }
0xa3: {  	v10 =	vor.u32 v2, v10;
	_ =	sdelay $0x4  }
0xa4: {  	[tilespmem:v10+s11+$0x0] =	vst.idx.msk $0xffff, v1  }
0xa5: {  	v10 =	vld [tilespmem:$0x120];
	_ =	sdelay $0x4  }
0xa6: {  	v10 =	vshll.u32 v10, $0x7  }
0xa7: {  	v10 =	vor.u32 v3, v10;
	_ =	sdelay $0x4  }
0xa8: {  	[tilespmem:v10+s11+$0x0] =	vst.idx.msk $0xffff, v1  }
0xa9: {  	v10 =	vld [tilespmem:$0x130];
	_ =	sdelay $0x4  }
0xaa: {  	v10 =	vshll.u32 v10, $0x7  }
0xab: {  	v10 =	vor.u32 v4, v10;
	_ =	sdelay $0x4  }
0xac: {  	[tilespmem:v10+s11+$0x0] =	vst.idx.msk $0xffff, v1  }
0xad: {  	v10 =	vld [tilespmem:$0x140];
	_ =	sdelay $0x4  }
0xae: {  	v10 =	vshll.u32 v10, $0x7  }
0xaf: {  	v10 =	vor.u32 v5, v10;
	_ =	sdelay $0x4  }
0xb0: {  	[tilespmem:v10+s11+$0x0] =	vst.idx.msk $0xffff, v1  }
0xb1: {  	v10 =	vld [tilespmem:$0x150];
	_ =	sdelay $0x4  }
0xb2: {  	v10 =	vshll.u32 v10, $0x7  }
0xb3: {  	v10 =	vor.u32 v6, v10;
	_ =	sdelay $0x4  }
0xb4: {  	[tilespmem:v10+s11+$0x0] =	vst.idx.msk $0xffff, v1  }
0xb5: {  	v10 =	vld [tilespmem:$0x160];
	_ =	sdelay $0x4  }
0xb6: {  	v10 =	vshll.u32 v10, $0x7  }
0xb7: {  	v10 =	vor.u32 v7, v10;
	_ =	sdelay $0x4  }
0xb8: {  	[tilespmem:v10+s11+$0x0] =	vst.idx.msk $0xffff, v1  }
0xb9: {  	v10 =	vld [tilespmem:$0x170];
	_ =	sdelay $0x4  }
0xba: {  	v10 =	vshll.u32 v10, $0x7  }
0xbb: {  	v10 =	vor.u32 v8, v10;
	_ =	sdelay $0x4  }
0xbc: {  	[tilespmem:v10+s11+$0x0] =	vst.idx.msk $0xffff, v1  }
0xbd: {  	[hbm4b:s7+s12] =	stream.strided.scatter [tilespmem:s11], [sflag:$0x1], $0x1F400, s13, s12, $0x38;
	[tilespmem:$0x1F600] =	vst v63  }
0xbe: {  	_ =	swait.ge [sflag:s10], $0x1F400  }
0xbf: {  	[sflag:s10] =	ssyncset.done $0x0  }
0xc0: {  	[sflag:s10] =	ssyncadd.s32 $0xFFFE0C00  }
0xc1: {  	v10 =	vld [tilespmem:$0x100];
	_ =	sdelay $0x4  }
0xc2: {  	v10 =	vshll.u32 v10, $0x7  }
0xc3: {  	v10 =	vor.u32 v0, v10;
	_ =	sdelay $0x4  }
0xc4: {  	[tilespmem:v10+s11+$0x0] =	vst.idx.msk $0xffff, v9  }
0xc5: {  	v10 =	vld [tilespmem:$0x110];
	_ =	sdelay $0x4  }
0xc6: {  	v10 =	vshll.u32 v10, $0x7  }
0xc7: {  	v10 =	vor.u32 v2, v10;
	_ =	sdelay $0x4  }
0xc8: {  	[tilespmem:v10+s11+$0x0] =	vst.idx.msk $0xffff, v9  }
0xc9: {  	v10 =	vld [tilespmem:$0x120];
	_ =	sdelay $0x4  }
0xca: {  	v10 =	vshll.u32 v10, $0x7  }
0xcb: {  	v10 =	vor.u32 v3, v10;
	_ =	sdelay $0x4  }
0xcc: {  	[tilespmem:v10+s11+$0x0] =	vst.idx.msk $0xffff, v9  }
0xcd: {  	v10 =	vld [tilespmem:$0x130];
	_ =	sdelay $0x4  }
0xce: {  	v10 =	vshll.u32 v10, $0x7  }
0xcf: {  	v10 =	vor.u32 v4, v10;
	_ =	sdelay $0x4  }
0xd0: {  	[tilespmem:v10+s11+$0x0] =	vst.idx.msk $0xffff, v9  }
0xd1: {  	v10 =	vld [tilespmem:$0x140];
	_ =	sdelay $0x4  }
0xd2: {  	v10 =	vshll.u32 v10, $0x7  }
0xd3: {  	v10 =	vor.u32 v5, v10;
	_ =	sdelay $0x4  }
0xd4: {  	[tilespmem:v10+s11+$0x0] =	vst.idx.msk $0xffff, v9  }
0xd5: {  	v10 =	vld [tilespmem:$0x150];
	_ =	sdelay $0x4  }
0xd6: {  	v10 =	vshll.u32 v10, $0x7  }
0xd7: {  	v10 =	vor.u32 v6, v10;
	_ =	sdelay $0x4  }
0xd8: {  	[tilespmem:v10+s11+$0x0] =	vst.idx.msk $0xffff, v9  }
0xd9: {  	v10 =	vld [tilespmem:$0x160];
	_ =	sdelay $0x4  }
0xda: {  	v10 =	vshll.u32 v10, $0x7  }
0xdb: {  	v10 =	vor.u32 v7, v10;
	_ =	sdelay $0x4  }
0xdc: {  	[tilespmem:v10+s11+$0x0] =	vst.idx.msk $0xffff, v9  }
0xdd: {  	v10 =	vld [tilespmem:$0x170];
	_ =	sdelay $0x4  }
0xde: {  	v10 =	vshll.u32 v10, $0x7  }
0xdf: {  	v10 =	vor.u32 v8, v10;
	_ =	sdelay $0x4  }
0xe0: {  	[tilespmem:v10+s11+$0x0] =	vst.idx.msk $0xffff, v9  }
0xe1: {  	v10 =	vld [tilespmem:$0x180];
	_ =	sdelay $0x4  }
0xe2: {  	v10 =	vshll.u32 v10, $0x7  }
0xe3: {  	v10 =	vor.u32 v0, v10;
	_ =	sdelay $0x4  }
0xe4: {  	[tilespmem:v10+s11+$0x0] =	vst.idx.msk $0xffff, v1  }
0xe5: {  	v10 =	vld [tilespmem:$0x190];
	_ =	sdelay $0x4  }
0xe6: {  	v10 =	vshll.u32 v10, $0x7  }
0xe7: {  	v10 =	vor.u32 v2, v10;
	_ =	sdelay $0x4  }
0xe8: {  	[tilespmem:v10+s11+$0x0] =	vst.idx.msk $0xffff, v1  }
0xe9: {  	v10 =	vld [tilespmem:$0x1A0];
	_ =	sdelay $0x4  }
0xea: {  	v10 =	vshll.u32 v10, $0x7  }
0xeb: {  	v10 =	vor.u32 v3, v10;
	_ =	sdelay $0x4  }
0xec: {  	[tilespmem:v10+s11+$0x0] =	vst.idx.msk $0xffff, v1  }
0xed: {  	v10 =	vld [tilespmem:$0x1B0];
	_ =	sdelay $0x4  }
0xee: {  	v10 =	vshll.u32 v10, $0x7  }
0xef: {  	v10 =	vor.u32 v4, v10;
	_ =	sdelay $0x4  }
0xf0: {  	[tilespmem:v10+s11+$0x0] =	vst.idx.msk $0xffff, v1  }
0xf1: {  	v10 =	vld [tilespmem:$0x1C0];
	_ =	sdelay $0x4  }
0xf2: {  	v10 =	vshll.u32 v10, $0x7  }
0xf3: {  	v10 =	vor.u32 v5, v10;
	_ =	sdelay $0x4  }
0xf4: {  	[tilespmem:v10+s11+$0x0] =	vst.idx.msk $0xffff, v1  }
0xf5: {  	v10 =	vld [tilespmem:$0x1D0];
	_ =	sdelay $0x4  }
0xf6: {  	v10 =	vshll.u32 v10, $0x7  }
0xf7: {  	v10 =	vor.u32 v6, v10;
	_ =	sdelay $0x4  }
0xf8: {  	[tilespmem:v10+s11+$0x0] =	vst.idx.msk $0xffff, v1  }
0xf9: {  	v10 =	vld [tilespmem:$0x1E0];
	_ =	sdelay $0x4  }
0xfa: {  	v10 =	vshll.u32 v10, $0x7  }
0xfb: {  	v10 =	vor.u32 v7, v10;
	_ =	sdelay $0x4  }
0xfc: {  	[tilespmem:v10+s11+$0x0] =	vst.idx.msk $0xffff, v1  }
0xfd: {  	v10 =	vld [tilespmem:$0x1F0];
	_ =	sdelay $0x4  }
0xfe: {  	v10 =	vshll.u32 v10, $0x7  }
0xff: {  	v10 =	vor.u32 v8, v10;
	_ =	sdelay $0x3  }
0x100: {  	p0 =	sne.s32 s9, $0x1  }
.Ltmp0:
0x101: {  	[tilespmem:v10+s11+$0x0] =	vst.idx.msk $0xffff, v1;
	(pc) =	sbr.rel @p0 .LBB2_1-.Ltmp0, $4  }
0x102: {  	[hbm4b:s8+s12] =	stream.strided.scatter [tilespmem:s11], [sflag:$0x1], $0x1F400, s13, s12, $0x38;
	[tilespmem:$0x1F600] =	vst v63  }
0x103: {  	_ =	swait.ge [sflag:s10], $0x1F400  }
0x104: {  	[sflag:s10] =	ssyncset.done $0x0  }
0x105: {  	s9 =	sadd.s32 $0xFFFFFFFF, s9;
	[sflag:s10] =	ssyncadd.s32 $0xFFFE0C00  }
0x106: {  	_ =	sfence.sel $0x180000  }
0x107: {  	[bflag:$0x0] =	sbarrier.arrive $0xFFFF  }
0x108: {  	p0 =	sne.s32 s1, $0x0;
	_ =	strace $0x90000047  }
0x109: {  	s0 =	sadd.s32 @!p0 $0x100000, s0;
	[bflag:$0x2] =	sbarrier.arrive $0xFFFF  }
0x10a: {  	[sflag:s0] =	ssyncadd.tile.s32 @!p0 $0x1;
	_ =	shalt  }
.Lfunc_end2:
_tile_overlayer_lowered:
.L_overlay_start_2:
0x10b: {  	(tag) =	ssettag $0x2  }
0x10c: {  	s0 =	rddreg [dreg:$0x0];
	s2 =	stileid.u32  }
0x10d: {  	s1 =	rddreg [dreg:$0x1];
	p0 =	sne.s32 s2, $0x0  }
0x10e: {  	s3 =	rddreg [dreg:$0x2];
	[bflag:$0x3] =	sbarrier.arrive $0xFFFF;
	s2 =	simm.s32 @!p0 $0x1C01  }
0x10f: {  	[timem:s3], [sflag:s2] =	dma.local @!p0 [hbm:s0], s1  }
0x110: {  	s0 =	simm.s32 @!p0 $0x1  }
0x111: {  	_ =	swait.ge @!p0 [sflag:s0], s1  }
0x112: {  	s1 =	ssub.s32 @!p0 $0x0, s1;
	[sflag:s0] =	ssyncset.done @!p0 $0x0  }
0x113: {  	[sflag:s0] =	ssyncadd.s32 @!p0 s1  }
0x114: {  	[bflag:$0x3] =	sbarrier.arrive $0xFFFF  }
0x115: {  	_ =	shalt  }

</sc_bundles>
